<compile_context>
chip_gen: v7x
topology: tpu7x:2x2x1
jax: 0.10.2.dev20260603
libtpu: 0.0.44.dev20260713+nightly
codegen_flags: <defaults>
</compile_context>

<pallas_src>
import functools

import jax
import jax.numpy as jnp
from jax import lax
from jax.experimental import pallas as pl
from jax.experimental.pallas import tpu as pltpu
from jax.experimental.pallas import tpu_sc as plsc

DIM = 64
K = 1024
B = 16384
BM = 1024
KC = 128
NCHUNK = K // KC


HM = BM // 2


def _vq_block(z_ref, cb2_ref, zsq_ref, csq_ref, idx_ref):
    for h in range(2):
        rows = pl.ds(h * HM, HM)
        z = z_ref[rows, :]
        z_sq = zsq_ref[rows, :][:, 0:1]

        def chunk_dist(c):
            cb_c = cb2_ref[pl.ds(c * KC, KC), :]
            cross2 = lax.dot_general(
                z, cb_c, (((1,), (1,)), ((), ())),
                preferred_element_type=jnp.float32)
            zc = z_sq + csq_ref[0:1, pl.ds(c * KC, KC)]
            return jnp.sqrt(zc - cross2)

        runval = chunk_dist(0)
        runk = jnp.zeros((HM, KC), dtype=jnp.int32)
        for c in range(1, NCHUNK):
            dist = chunk_dist(c)
            better = dist < runval
            runval = jnp.where(better, dist, runval)
            runk = jnp.where(better, c * KC, runk)
        lane = lax.broadcasted_iota(jnp.int32, (HM, KC), 1)
        k_vec = runk + lane
        dmin = jnp.min(runval, axis=1, keepdims=True)
        idx = jnp.min(jnp.where(runval == dmin, k_vec, K), axis=1)
        idx_ref[pl.program_id(0), 0, pl.ds(h * HM, HM)] = idx


def _tc_indices(z, codebook, z_sq, c_sq):
    nblk = B // BM
    idx = pl.pallas_call(
        _vq_block,
        grid=(nblk,),
        in_specs=[
            pl.BlockSpec((BM, DIM), lambda i: (i, 0)),
            pl.BlockSpec((K, DIM), lambda i: (0, 0)),
            pl.BlockSpec((BM, 1), lambda i: (i, 0)),
            pl.BlockSpec((8, K), lambda i: (0, 0)),
        ],
        out_specs=pl.BlockSpec((nblk, 1, BM), lambda i: (0, 0, 0)),
        out_shape=jax.ShapeDtypeStruct((nblk, 1, BM), jnp.int32),
        compiler_params=pltpu.CompilerParams(
            dimension_semantics=("parallel",)),
    )(z, codebook, z_sq, c_sq)
    return idx.reshape(B)


_INFO = plsc.get_sparse_core_info()
_NC, _NS = _INFO.num_cores, _INFO.num_subcores
_NW = _NC * _NS
_BPW = B // _NW


def _sc_gather(codebook, idx):
    mesh = plsc.VectorSubcoreMesh(core_axis_name="c", subcore_axis_name="s")

    @functools.partial(
        pl.kernel, mesh=mesh,
        out_type=jax.ShapeDtypeStruct((B, DIM), jnp.float32),
        scratch_types=[
            pltpu.VMEM((_BPW,), jnp.int32),
            pltpu.VMEM((_BPW, DIM), jnp.float32),
            pltpu.SemaphoreType.DMA,
        ],
        compiler_params=pltpu.CompilerParams(use_tc_tiling_on_sc=False),
    )
    def gather_k(table_hbm, idx_hbm, out_hbm, idx_v, rows_v, sem):
        wid = lax.axis_index("s") * _NC + lax.axis_index("c")
        base = wid * _BPW
        pltpu.sync_copy(idx_hbm.at[pl.ds(base, _BPW)], idx_v)
        pltpu.async_copy(table_hbm.at[idx_v], rows_v, sem).wait()
        pltpu.sync_copy(rows_v, out_hbm.at[pl.ds(base, _BPW)])

    return gather_k(codebook, idx)


def kernel(z, codebook):
    z_sq = jnp.sum(z * z, axis=1, keepdims=True)
    c_sq = jnp.broadcast_to(jnp.sum(codebook * codebook, axis=1)[None, :],
                            (8, K))
    idx = _tc_indices(z, codebook + codebook, z_sq, c_sq)
    zq = _sc_gather(codebook, idx)
    return (zq, idx)

# --- scband reference (transcript-rebuilt; emitter-appended) ---
"""Pipeline reference for scband-vector-quantizer-66082366816964 (READ-ONLY COPY).

The authoritative reference and input builder live on the scoring server;
editing this copy changes nothing except your own understanding.
"""

import jax, jax.numpy as jnp
import numpy as np

DIM = 64
CODEBOOK_SIZE = 1024
B = 16384

def setup_inputs(seed: int = 0) -> dict:
    key = jax.random.key(seed)
    k_z, k_cb = jax.random.split(key)
    z = jax.random.normal(k_z, (B, DIM), dtype=jnp.float32)
    n = CODEBOOK_SIZE
    # uniform init: Uniform[-1/n, 1/n]
    codebook = jax.random.uniform(k_cb, (n, DIM), dtype=jnp.float32, minval=-1.0 / n, maxval=1.0 / n)
    return {"z": z, "codebook": codebook}

def reference(z, codebook):
    # Euclidean distances (torch.cdist equivalent) via expanded form
    z_sq = jnp.sum(z * z, axis=1, keepdims=True)            # (B, 1)
    c_sq = jnp.sum(codebook * codebook, axis=1)[None, :]    # (1, K)
    cross = z @ codebook.T                                   # (B, K)
    dist_sq = jnp.maximum(z_sq + c_sq - 2.0 * cross, 0.0)
    distances = jnp.sqrt(dist_sq)
    indices = jnp.argmin(distances, axis=1)                  # (B,)
    z_q_hard = jnp.take(codebook, indices, axis=0)           # gather
    # inference path (z.requires_grad == False): z_q = z_q_hard
    return (z_q_hard, indices)

if __name__ == "__main__":
    import jax
    _d = setup_inputs()
    print(jax.jit(kernel)(*tuple(_d.values())))

</pallas_src>

<mosaic_0001>
#map = affine_map<(d0, d1) -> (0, 0)>
#map1 = affine_map<(d0, d1) -> (0)>
module attributes {stable_mosaic.version = 14 : i64} {
  func.func @gather_k(%arg0: i32, %arg1: i32, %arg2: memref<1024x64xf32, #tpu.memory_space<hbm>>, %arg3: memref<16384xi32, #tpu.memory_space<hbm>>, %arg4: memref<16384x64xf32, #tpu.memory_space<hbm>>, %arg5: memref<512xi32, #tpu.memory_space<vmem>>, %arg6: memref<512x64xf32, #tpu.memory_space<vmem>>, %arg7: memref<!tpu.dma_semaphore, #tpu.memory_space<semaphore_mem>>) attributes {dimension_semantics = [#tpu.dimension_semantics<core_parallel>, #tpu.dimension_semantics<subcore_parallel>], iteration_bounds = array<i64: 2, 16>, scalar_prefetch = 0 : i64, scratch_operands = 3 : i64, tpu.core_type = #tpu.core_type<sc_vector_subcore>, window_params = [{transform_indices = #map}, {transform_indices = #map1}, {transform_indices = #map}]} {
    %mul3A = arith.constant 2 : i32
    %mul3A_0 = arith.muli %arg1, %mul3A : i32
    %add3A = arith.addi %mul3A_0, %arg0 : i32
    %mul3A_1 = arith.constant 512 : i32
    %mul3A_2 = arith.muli %add3A, %mul3A_1 : i32
    "tpu.region"() ({
      %run_scoped3A = tpu.sem_alloc : memref<!tpu.dma_semaphore, #tpu.memory_space<semaphore_mem>>
      %dma_start3A_7 = tpu.memref_slice %arg3[%mul3A_2] : memref<16384xi32, #tpu.memory_space<hbm>> -> memref<512xi32, #tpu.memory_space<hbm>>
      %dma_start3A_8 = tpu.memref_slice %arg3[%mul3A_2] : memref<16384xi32, #tpu.memory_space<hbm>> -> memref<512xi32, #tpu.memory_space<hbm>>
      tpu.enqueue_dma source(%dma_start3A_8 : memref<512xi32, #tpu.memory_space<hbm>>) target(%arg5 : memref<512xi32, #tpu.memory_space<vmem>>) target_semaphore(%run_scoped3A : memref<!tpu.dma_semaphore, #tpu.memory_space<semaphore_mem>>)
      %dma_wait3A_9 = tpu.memref_slice %arg3[%mul3A_2] : memref<16384xi32, #tpu.memory_space<hbm>> -> memref<512xi32, #tpu.memory_space<hbm>>
      %dma_wait3A_10 = tpu.memref_slice %arg3[%mul3A_2] : memref<16384xi32, #tpu.memory_space<hbm>> -> memref<512xi32, #tpu.memory_space<hbm>>
      tpu.wait_dma2 semaphore(%run_scoped3A : memref<!tpu.dma_semaphore, #tpu.memory_space<semaphore_mem>>) src(%dma_wait3A_10 : memref<512xi32, #tpu.memory_space<hbm>>) dst(%arg5 : memref<512xi32, #tpu.memory_space<vmem>>)
      tpu.yield
    }) : () -> ()
    %dma_start3A = arith.constant 0 : i32
    %dma_start3A_3 = arith.constant 0 : i32
    %dma_start3A_4 = tpu.memref_slice %arg2[%dma_start3A, %dma_start3A_3] : memref<1024x64xf32, #tpu.memory_space<hbm>> -> memref<1024x64xf32, #tpu.memory_space<hbm>>
    tpu.enqueue_indirect_dma source(%dma_start3A_4 : memref<1024x64xf32, #tpu.memory_space<hbm>>) target(%arg6 : memref<512x64xf32, #tpu.memory_space<vmem>>) offsets(%arg5 : memref<512xi32, #tpu.memory_space<vmem>>) semaphore(%arg7 : memref<!tpu.dma_semaphore, #tpu.memory_space<semaphore_mem>>)
    %dma_wait3A = arith.constant 0 : i32
    %dma_wait3A_5 = arith.constant 0 : i32
    %dma_wait3A_6 = tpu.memref_slice %arg2[%dma_wait3A, %dma_wait3A_5] : memref<1024x64xf32, #tpu.memory_space<hbm>> -> memref<1024x64xf32, #tpu.memory_space<hbm>>
    tpu.wait_indirect_dma semaphore(%arg7 : memref<!tpu.dma_semaphore, #tpu.memory_space<semaphore_mem>>) src(%dma_wait3A_6 : memref<1024x64xf32, #tpu.memory_space<hbm>>) dst(%arg6 : memref<512x64xf32, #tpu.memory_space<vmem>>)
    "tpu.region"() ({
      %run_scoped3A = tpu.sem_alloc : memref<!tpu.dma_semaphore, #tpu.memory_space<semaphore_mem>>
      %dma_start3A_7 = arith.constant 0 : i32
      %dma_start3A_8 = tpu.memref_slice %arg4[%mul3A_2, %dma_start3A_7] : memref<16384x64xf32, #tpu.memory_space<hbm>> -> memref<512x64xf32, #tpu.memory_space<hbm>>
      %dma_start3A_9 = arith.constant 0 : i32
      %dma_start3A_10 = tpu.memref_slice %arg4[%mul3A_2, %dma_start3A_9] : memref<16384x64xf32, #tpu.memory_space<hbm>> -> memref<512x64xf32, #tpu.memory_space<hbm>>
      tpu.enqueue_dma source(%arg6 : memref<512x64xf32, #tpu.memory_space<vmem>>) target(%dma_start3A_10 : memref<512x64xf32, #tpu.memory_space<hbm>>) target_semaphore(%run_scoped3A : memref<!tpu.dma_semaphore, #tpu.memory_space<semaphore_mem>>)
      %dma_wait3A_11 = arith.constant 0 : i32
      %dma_wait3A_12 = tpu.memref_slice %arg4[%mul3A_2, %dma_wait3A_11] : memref<16384x64xf32, #tpu.memory_space<hbm>> -> memref<512x64xf32, #tpu.memory_space<hbm>>
      %dma_wait3A_13 = arith.constant 0 : i32
      %dma_wait3A_14 = tpu.memref_slice %arg4[%mul3A_2, %dma_wait3A_13] : memref<16384x64xf32, #tpu.memory_space<hbm>> -> memref<512x64xf32, #tpu.memory_space<hbm>>
      tpu.wait_dma2 semaphore(%run_scoped3A : memref<!tpu.dma_semaphore, #tpu.memory_space<semaphore_mem>>) src(%arg6 : memref<512x64xf32, #tpu.memory_space<vmem>>) dst(%dma_wait3A_14 : memref<512x64xf32, #tpu.memory_space<hbm>>)
      tpu.yield
    }) : () -> ()
    return
  }
}

module attributes {stable_mosaic.version = 14 : i64} {
  func.func @_vq_block(%arg0: i32, %arg1: memref<1024x64xf32, #tpu.memory_space<vmem>>, %arg2: memref<1024x64xf32, #tpu.memory_space<vmem>>, %arg3: memref<1024x1xf32, #tpu.memory_space<vmem>>, %arg4: memref<8x1024xf32, #tpu.memory_space<vmem>>, %arg5: memref<16x1x1024xi32, #tpu.memory_space<vmem>>) attributes {dimension_semantics = [#tpu.dimension_semantics<parallel>], iteration_bounds = array<i64: 16>, scalar_prefetch = 0 : i64, scratch_operands = 0 : i64, tpu.core_type = #tpu.core_type<tc>, window_params = [{transform_indices = @transform_0, window_bounds = array<i64: 1024, 64>}, {pipeline_mode = #tpu.pipeline_mode<synchronous>, transform_indices = @transform_1, window_bounds = array<i64: 1024, 64>}, {transform_indices = @transform_2, window_bounds = array<i64: 1024, 1>}, {pipeline_mode = #tpu.pipeline_mode<synchronous>, transform_indices = @transform_3, window_bounds = array<i64: 8, 1024>}, {pipeline_mode = #tpu.pipeline_mode<synchronous>, transform_indices = @transform_4, window_bounds = array<i64: 16, 1, 1024>}]} {
    %get3A = arith.constant 0 : index
    %get3A_0 = arith.constant 0 : index
    %get3A_1 = vector.load %arg1[%get3A, %get3A_0] : memref<1024x64xf32, #tpu.memory_space<vmem>>, vector<512x64xf32>
    %get3A_2 = arith.constant 0 : index
    %get3A_3 = arith.constant 0 : index
    %get3A_4 = vector.load %arg3[%get3A_2, %get3A_3] : memref<1024x1xf32, #tpu.memory_space<vmem>>, vector<512x1xf32>
    %get3A_5 = arith.constant 0 : index
    %get3A_6 = arith.constant 0 : index
    %get3A_7 = vector.load %arg2[%get3A_5, %get3A_6] : memref<1024x64xf32, #tpu.memory_space<vmem>>, vector<128x64xf32>
    %dot_general3A = arith.constant dense<0.000000e+00> : vector<512x128xf32>
    %dot_general3A_8 = tpu.matmul %get3A_1, %get3A_7, %dot_general3A {dimension_numbers = #tpu.dot_dimension_numbers<[1], [1], [0], [0], [0, 0, 1, 0], [], []>, transpose_lhs_hint = false} : vector<512x64xf32>, vector<128x64xf32>, vector<512x128xf32> -> vector<512x128xf32>
    %get3A_9 = arith.constant 0 : index
    %get3A_10 = arith.constant 0 : index
    %get3A_11 = vector.load %arg4[%get3A_9, %get3A_10] : memref<8x1024xf32, #tpu.memory_space<vmem>>, vector<1x128xf32>
    %add3A = vector.broadcast %get3A_4 : vector<512x1xf32> to vector<512x128xf32>
    %add3A_12 = vector.broadcast %get3A_11 : vector<1x128xf32> to vector<512x128xf32>
    %add3A_13 = arith.addf %add3A, %add3A_12 : vector<512x128xf32>
    %sub3A = arith.subf %add3A_13, %dot_general3A_8 : vector<512x128xf32>
    %sqrt3A = math.sqrt %sub3A : vector<512x128xf32>
    %broadcast_in_dim3A = arith.constant 0 : i32
    %broadcast_in_dim3A_14 = vector.broadcast %broadcast_in_dim3A : i32 to vector<512x128xi32>
    %get3A_15 = arith.constant 128 : index
    %get3A_16 = arith.constant 0 : index
    %get3A_17 = vector.load %arg2[%get3A_15, %get3A_16] : memref<1024x64xf32, #tpu.memory_space<vmem>>, vector<128x64xf32>
    %dot_general3A_18 = arith.constant dense<0.000000e+00> : vector<512x128xf32>
    %dot_general3A_19 = tpu.matmul %get3A_1, %get3A_17, %dot_general3A_18 {dimension_numbers = #tpu.dot_dimension_numbers<[1], [1], [0], [0], [0, 0, 1, 0], [], []>, transpose_lhs_hint = false} : vector<512x64xf32>, vector<128x64xf32>, vector<512x128xf32> -> vector<512x128xf32>
    %get3A_20 = arith.constant 0 : index
    %get3A_21 = arith.constant 128 : index
    %get3A_22 = vector.load %arg4[%get3A_20, %get3A_21] : memref<8x1024xf32, #tpu.memory_space<vmem>>, vector<1x128xf32>
    %add3A_23 = vector.broadcast %get3A_4 : vector<512x1xf32> to vector<512x128xf32>
    %add3A_24 = vector.broadcast %get3A_22 : vector<1x128xf32> to vector<512x128xf32>
    %add3A_25 = arith.addf %add3A_23, %add3A_24 : vector<512x128xf32>
    %sub3A_26 = arith.subf %add3A_25, %dot_general3A_19 : vector<512x128xf32>
    %sqrt3A_27 = math.sqrt %sub3A_26 : vector<512x128xf32>
    %lt3A = arith.cmpf olt, %sqrt3A_27, %sqrt3A : vector<512x128xf32>
    %select_n3A = arith.select %lt3A, %sqrt3A_27, %sqrt3A : vector<512x128xi1>, vector<512x128xf32>
    %jit3A = arith.constant 128 : i32
    %broadcast_in_dim3A_28 = vector.broadcast %jit3A : i32 to vector<512x128xi32>
    %select_n3A_29 = arith.select %lt3A, %broadcast_in_dim3A_28, %broadcast_in_dim3A_14 : vector<512x128xi1>, vector<512x128xi32>
    %get3A_30 = arith.constant 256 : index
    %get3A_31 = arith.constant 0 : index
    %get3A_32 = vector.load %arg2[%get3A_30, %get3A_31] : memref<1024x64xf32, #tpu.memory_space<vmem>>, vector<128x64xf32>
    %dot_general3A_33 = arith.constant dense<0.000000e+00> : vector<512x128xf32>
    %dot_general3A_34 = tpu.matmul %get3A_1, %get3A_32, %dot_general3A_33 {dimension_numbers = #tpu.dot_dimension_numbers<[1], [1], [0], [0], [0, 0, 1, 0], [], []>, transpose_lhs_hint = false} : vector<512x64xf32>, vector<128x64xf32>, vector<512x128xf32> -> vector<512x128xf32>
    %get3A_35 = arith.constant 0 : index
    %get3A_36 = arith.constant 256 : index
    %get3A_37 = vector.load %arg4[%get3A_35, %get3A_36] : memref<8x1024xf32, #tpu.memory_space<vmem>>, vector<1x128xf32>
    %add3A_38 = vector.broadcast %get3A_4 : vector<512x1xf32> to vector<512x128xf32>
    %add3A_39 = vector.broadcast %get3A_37 : vector<1x128xf32> to vector<512x128xf32>
    %add3A_40 = arith.addf %add3A_38, %add3A_39 : vector<512x128xf32>
    %sub3A_41 = arith.subf %add3A_40, %dot_general3A_34 : vector<512x128xf32>
    %sqrt3A_42 = math.sqrt %sub3A_41 : vector<512x128xf32>
    %lt3A_43 = arith.cmpf olt, %sqrt3A_42, %select_n3A : vector<512x128xf32>
    %select_n3A_44 = arith.select %lt3A_43, %sqrt3A_42, %select_n3A : vector<512x128xi1>, vector<512x128xf32>
    %jit3A_45 = arith.constant 256 : i32
    %broadcast_in_dim3A_46 = vector.broadcast %jit3A_45 : i32 to vector<512x128xi32>
    %select_n3A_47 = arith.select %lt3A_43, %broadcast_in_dim3A_46, %select_n3A_29 : vector<512x128xi1>, vector<512x128xi32>
    %get3A_48 = arith.constant 384 : index
    %get3A_49 = arith.constant 0 : index
    %get3A_50 = vector.load %arg2[%get3A_48, %get3A_49] : memref<1024x64xf32, #tpu.memory_space<vmem>>, vector<128x64xf32>
    %dot_general3A_51 = arith.constant dense<0.000000e+00> : vector<512x128xf32>
    %dot_general3A_52 = tpu.matmul %get3A_1, %get3A_50, %dot_general3A_51 {dimension_numbers = #tpu.dot_dimension_numbers<[1], [1], [0], [0], [0, 0, 1, 0], [], []>, transpose_lhs_hint = false} : vector<512x64xf32>, vector<128x64xf32>, vector<512x128xf32> -> vector<512x128xf32>
    %get3A_53 = arith.constant 0 : index
    %get3A_54 = arith.constant 384 : index
    %get3A_55 = vector.load %arg4[%get3A_53, %get3A_54] : memref<8x1024xf32, #tpu.memory_space<vmem>>, vector<1x128xf32>
    %add3A_56 = vector.broadcast %get3A_4 : vector<512x1xf32> to vector<512x128xf32>
    %add3A_57 = vector.broadcast %get3A_55 : vector<1x128xf32> to vector<512x128xf32>
    %add3A_58 = arith.addf %add3A_56, %add3A_57 : vector<512x128xf32>
    %sub3A_59 = arith.subf %add3A_58, %dot_general3A_52 : vector<512x128xf32>
    %sqrt3A_60 = math.sqrt %sub3A_59 : vector<512x128xf32>
    %lt3A_61 = arith.cmpf olt, %sqrt3A_60, %select_n3A_44 : vector<512x128xf32>
    %select_n3A_62 = arith.select %lt3A_61, %sqrt3A_60, %select_n3A_44 : vector<512x128xi1>, vector<512x128xf32>
    %jit3A_63 = arith.constant 384 : i32
    %broadcast_in_dim3A_64 = vector.broadcast %jit3A_63 : i32 to vector<512x128xi32>
    %select_n3A_65 = arith.select %lt3A_61, %broadcast_in_dim3A_64, %select_n3A_47 : vector<512x128xi1>, vector<512x128xi32>
    %get3A_66 = arith.constant 512 : index
    %get3A_67 = arith.constant 0 : index
    %get3A_68 = vector.load %arg2[%get3A_66, %get3A_67] : memref<1024x64xf32, #tpu.memory_space<vmem>>, vector<128x64xf32>
    %dot_general3A_69 = arith.constant dense<0.000000e+00> : vector<512x128xf32>
    %dot_general3A_70 = tpu.matmul %get3A_1, %get3A_68, %dot_general3A_69 {dimension_numbers = #tpu.dot_dimension_numbers<[1], [1], [0], [0], [0, 0, 1, 0], [], []>, transpose_lhs_hint = false} : vector<512x64xf32>, vector<128x64xf32>, vector<512x128xf32> -> vector<512x128xf32>
    %get3A_71 = arith.constant 0 : index
    %get3A_72 = arith.constant 512 : index
    %get3A_73 = vector.load %arg4[%get3A_71, %get3A_72] : memref<8x1024xf32, #tpu.memory_space<vmem>>, vector<1x128xf32>
    %add3A_74 = vector.broadcast %get3A_4 : vector<512x1xf32> to vector<512x128xf32>
    %add3A_75 = vector.broadcast %get3A_73 : vector<1x128xf32> to vector<512x128xf32>
    %add3A_76 = arith.addf %add3A_74, %add3A_75 : vector<512x128xf32>
    %sub3A_77 = arith.subf %add3A_76, %dot_general3A_70 : vector<512x128xf32>
    %sqrt3A_78 = math.sqrt %sub3A_77 : vector<512x128xf32>
    %lt3A_79 = arith.cmpf olt, %sqrt3A_78, %select_n3A_62 : vector<512x128xf32>
    %select_n3A_80 = arith.select %lt3A_79, %sqrt3A_78, %select_n3A_62 : vector<512x128xi1>, vector<512x128xf32>
    %jit3A_81 = arith.constant 512 : i32
    %broadcast_in_dim3A_82 = vector.broadcast %jit3A_81 : i32 to vector<512x128xi32>
    %select_n3A_83 = arith.select %lt3A_79, %broadcast_in_dim3A_82, %select_n3A_65 : vector<512x128xi1>, vector<512x128xi32>
    %get3A_84 = arith.constant 640 : index
    %get3A_85 = arith.constant 0 : index
    %get3A_86 = vector.load %arg2[%get3A_84, %get3A_85] : memref<1024x64xf32, #tpu.memory_space<vmem>>, vector<128x64xf32>
    %dot_general3A_87 = arith.constant dense<0.000000e+00> : vector<512x128xf32>
    %dot_general3A_88 = tpu.matmul %get3A_1, %get3A_86, %dot_general3A_87 {dimension_numbers = #tpu.dot_dimension_numbers<[1], [1], [0], [0], [0, 0, 1, 0], [], []>, transpose_lhs_hint = false} : vector<512x64xf32>, vector<128x64xf32>, vector<512x128xf32> -> vector<512x128xf32>
    %get3A_89 = arith.constant 0 : index
    %get3A_90 = arith.constant 640 : index
    %get3A_91 = vector.load %arg4[%get3A_89, %get3A_90] : memref<8x1024xf32, #tpu.memory_space<vmem>>, vector<1x128xf32>
    %add3A_92 = vector.broadcast %get3A_4 : vector<512x1xf32> to vector<512x128xf32>
    %add3A_93 = vector.broadcast %get3A_91 : vector<1x128xf32> to vector<512x128xf32>
    %add3A_94 = arith.addf %add3A_92, %add3A_93 : vector<512x128xf32>
    %sub3A_95 = arith.subf %add3A_94, %dot_general3A_88 : vector<512x128xf32>
    %sqrt3A_96 = math.sqrt %sub3A_95 : vector<512x128xf32>
    %lt3A_97 = arith.cmpf olt, %sqrt3A_96, %select_n3A_80 : vector<512x128xf32>
    %select_n3A_98 = arith.select %lt3A_97, %sqrt3A_96, %select_n3A_80 : vector<512x128xi1>, vector<512x128xf32>
    %jit3A_99 = arith.constant 640 : i32
    %broadcast_in_dim3A_100 = vector.broadcast %jit3A_99 : i32 to vector<512x128xi32>
    %select_n3A_101 = arith.select %lt3A_97, %broadcast_in_dim3A_100, %select_n3A_83 : vector<512x128xi1>, vector<512x128xi32>
    %get3A_102 = arith.constant 768 : index
    %get3A_103 = arith.constant 0 : index
    %get3A_104 = vector.load %arg2[%get3A_102, %get3A_103] : memref<1024x64xf32, #tpu.memory_space<vmem>>, vector<128x64xf32>
    %dot_general3A_105 = arith.constant dense<0.000000e+00> : vector<512x128xf32>
    %dot_general3A_106 = tpu.matmul %get3A_1, %get3A_104, %dot_general3A_105 {dimension_numbers = #tpu.dot_dimension_numbers<[1], [1], [0], [0], [0, 0, 1, 0], [], []>, transpose_lhs_hint = false} : vector<512x64xf32>, vector<128x64xf32>, vector<512x128xf32> -> vector<512x128xf32>
    %get3A_107 = arith.constant 0 : index
    %get3A_108 = arith.constant 768 : index
    %get3A_109 = vector.load %arg4[%get3A_107, %get3A_108] : memref<8x1024xf32, #tpu.memory_space<vmem>>, vector<1x128xf32>
    %add3A_110 = vector.broadcast %get3A_4 : vector<512x1xf32> to vector<512x128xf32>
    %add3A_111 = vector.broadcast %get3A_109 : vector<1x128xf32> to vector<512x128xf32>
    %add3A_112 = arith.addf %add3A_110, %add3A_111 : vector<512x128xf32>
    %sub3A_113 = arith.subf %add3A_112, %dot_general3A_106 : vector<512x128xf32>
    %sqrt3A_114 = math.sqrt %sub3A_113 : vector<512x128xf32>
    %lt3A_115 = arith.cmpf olt, %sqrt3A_114, %select_n3A_98 : vector<512x128xf32>
    %select_n3A_116 = arith.select %lt3A_115, %sqrt3A_114, %select_n3A_98 : vector<512x128xi1>, vector<512x128xf32>
    %jit3A_117 = arith.constant 768 : i32
    %broadcast_in_dim3A_118 = vector.broadcast %jit3A_117 : i32 to vector<512x128xi32>
    %select_n3A_119 = arith.select %lt3A_115, %broadcast_in_dim3A_118, %select_n3A_101 : vector<512x128xi1>, vector<512x128xi32>
    %get3A_120 = arith.constant 896 : index
    %get3A_121 = arith.constant 0 : index
    %get3A_122 = vector.load %arg2[%get3A_120, %get3A_121] : memref<1024x64xf32, #tpu.memory_space<vmem>>, vector<128x64xf32>
    %dot_general3A_123 = arith.constant dense<0.000000e+00> : vector<512x128xf32>
    %dot_general3A_124 = tpu.matmul %get3A_1, %get3A_122, %dot_general3A_123 {dimension_numbers = #tpu.dot_dimension_numbers<[1], [1], [0], [0], [0, 0, 1, 0], [], []>, transpose_lhs_hint = false} : vector<512x64xf32>, vector<128x64xf32>, vector<512x128xf32> -> vector<512x128xf32>
    %get3A_125 = arith.constant 0 : index
    %get3A_126 = arith.constant 896 : index
    %get3A_127 = vector.load %arg4[%get3A_125, %get3A_126] : memref<8x1024xf32, #tpu.memory_space<vmem>>, vector<1x128xf32>
    %add3A_128 = vector.broadcast %get3A_4 : vector<512x1xf32> to vector<512x128xf32>
    %add3A_129 = vector.broadcast %get3A_127 : vector<1x128xf32> to vector<512x128xf32>
    %add3A_130 = arith.addf %add3A_128, %add3A_129 : vector<512x128xf32>
    %sub3A_131 = arith.subf %add3A_130, %dot_general3A_124 : vector<512x128xf32>
    %sqrt3A_132 = math.sqrt %sub3A_131 : vector<512x128xf32>
    %lt3A_133 = arith.cmpf olt, %sqrt3A_132, %select_n3A_116 : vector<512x128xf32>
    %select_n3A_134 = arith.select %lt3A_133, %sqrt3A_132, %select_n3A_116 : vector<512x128xi1>, vector<512x128xf32>
    %jit3A_135 = arith.constant 896 : i32
    %broadcast_in_dim3A_136 = vector.broadcast %jit3A_135 : i32 to vector<512x128xi32>
    %select_n3A_137 = arith.select %lt3A_133, %broadcast_in_dim3A_136, %select_n3A_119 : vector<512x128xi1>, vector<512x128xi32>
    %iota3A = tpu.iota {dimensions = array<i32: 1>} : vector<512x128xi32>
    %add3A_138 = arith.addi %select_n3A_137, %iota3A : vector<512x128xi32>
    %reduce_min3A = arith.constant dense<0x7F800000> : vector<512xf32>
    %reduce_min3A_139 = vector.multi_reduction <minimumf>, %select_n3A_134, %reduce_min3A [1] : vector<512x128xf32> to vector<512xf32>
    %broadcast_in_dim3A_140 = vector.shape_cast %reduce_min3A_139 : vector<512xf32> to vector<512x1xf32>
    %eq3A = vector.broadcast %broadcast_in_dim3A_140 : vector<512x1xf32> to vector<512x128xf32>
    %eq3A_141 = arith.cmpf oeq, %select_n3A_134, %eq3A : vector<512x128xf32>
    %jit3A_142 = arith.constant 1024 : i32
    %broadcast_in_dim3A_143 = vector.broadcast %jit3A_142 : i32 to vector<512x128xi32>
    %select_n3A_144 = arith.select %eq3A_141, %add3A_138, %broadcast_in_dim3A_143 : vector<512x128xi1>, vector<512x128xi32>
    %reduce_min3A_145 = arith.constant dense<2147483647> : vector<512xi32>
    %reduce_min3A_146 = vector.multi_reduction <minsi>, %select_n3A_144, %reduce_min3A_145 [1] : vector<512x128xi32> to vector<512xi32>
    %swap3A = arith.index_cast %arg0 : i32 to index
    %swap3A_147 = arith.constant 0 : index
    %swap3A_148 = arith.constant 0 : index
    %swap3A_149 = vector.load %arg5[%swap3A, %swap3A_147, %swap3A_148] : memref<16x1x1024xi32, #tpu.memory_space<vmem>>, vector<1x1x512xi32>
    %swap3A_150 = vector.shape_cast %swap3A_149 : vector<1x1x512xi32> to vector<512xi32>
    %swap3A_151 = vector.shape_cast %reduce_min3A_146 : vector<512xi32> to vector<1x1x512xi32>
    tpu.vector_store %arg5[%swap3A, %swap3A_147, %swap3A_148], %swap3A_151 {strides = array<i32>} : memref<16x1x1024xi32, #tpu.memory_space<vmem>>, vector<1x1x512xi32>,
    %get3A_152 = arith.constant 512 : index
    %get3A_153 = arith.constant 0 : index
    %get3A_154 = vector.load %arg1[%get3A_152, %get3A_153] : memref<1024x64xf32, #tpu.memory_space<vmem>>, vector<512x64xf32>
    %get3A_155 = arith.constant 512 : index
    %get3A_156 = arith.constant 0 : index
    %get3A_157 = vector.load %arg3[%get3A_155, %get3A_156] : memref<1024x1xf32, #tpu.memory_space<vmem>>, vector<512x1xf32>
    %get3A_158 = arith.constant 0 : index
    %get3A_159 = arith.constant 0 : index
    %get3A_160 = vector.load %arg2[%get3A_158, %get3A_159] : memref<1024x64xf32, #tpu.memory_space<vmem>>, vector<128x64xf32>
    %dot_general3A_161 = arith.constant dense<0.000000e+00> : vector<512x128xf32>
    %dot_general3A_162 = tpu.matmul %get3A_154, %get3A_160, %dot_general3A_161 {dimension_numbers = #tpu.dot_dimension_numbers<[1], [1], [0], [0], [0, 0, 1, 0], [], []>, transpose_lhs_hint = false} : vector<512x64xf32>, vector<128x64xf32>, vector<512x128xf32> -> vector<512x128xf32>
    %get3A_163 = arith.constant 0 : index
    %get3A_164 = arith.constant 0 : index
    %get3A_165 = vector.load %arg4[%get3A_163, %get3A_164] : memref<8x1024xf32, #tpu.memory_space<vmem>>, vector<1x128xf32>
    %add3A_166 = vector.broadcast %get3A_157 : vector<512x1xf32> to vector<512x128xf32>
    %add3A_167 = vector.broadcast %get3A_165 : vector<1x128xf32> to vector<512x128xf32>
    %add3A_168 = arith.addf %add3A_166, %add3A_167 : vector<512x128xf32>
    %sub3A_169 = arith.subf %add3A_168, %dot_general3A_162 : vector<512x128xf32>
    %sqrt3A_170 = math.sqrt %sub3A_169 : vector<512x128xf32>
    %broadcast_in_dim3A_171 = arith.constant 0 : i32
    %broadcast_in_dim3A_172 = vector.broadcast %broadcast_in_dim3A_171 : i32 to vector<512x128xi32>
    %get3A_173 = arith.constant 128 : index
    %get3A_174 = arith.constant 0 : index
    %get3A_175 = vector.load %arg2[%get3A_173, %get3A_174] : memref<1024x64xf32, #tpu.memory_space<vmem>>, vector<128x64xf32>
    %dot_general3A_176 = arith.constant dense<0.000000e+00> : vector<512x128xf32>
    %dot_general3A_177 = tpu.matmul %get3A_154, %get3A_175, %dot_general3A_176 {dimension_numbers = #tpu.dot_dimension_numbers<[1], [1], [0], [0], [0, 0, 1, 0], [], []>, transpose_lhs_hint = false} : vector<512x64xf32>, vector<128x64xf32>, vector<512x128xf32> -> vector<512x128xf32>
    %get3A_178 = arith.constant 0 : index
    %get3A_179 = arith.constant 128 : index
    %get3A_180 = vector.load %arg4[%get3A_178, %get3A_179] : memref<8x1024xf32, #tpu.memory_space<vmem>>, vector<1x128xf32>
    %add3A_181 = vector.broadcast %get3A_157 : vector<512x1xf32> to vector<512x128xf32>
    %add3A_182 = vector.broadcast %get3A_180 : vector<1x128xf32> to vector<512x128xf32>
    %add3A_183 = arith.addf %add3A_181, %add3A_182 : vector<512x128xf32>
    %sub3A_184 = arith.subf %add3A_183, %dot_general3A_177 : vector<512x128xf32>
    %sqrt3A_185 = math.sqrt %sub3A_184 : vector<512x128xf32>
    %lt3A_186 = arith.cmpf olt, %sqrt3A_185, %sqrt3A_170 : vector<512x128xf32>
    %select_n3A_187 = arith.select %lt3A_186, %sqrt3A_185, %sqrt3A_170 : vector<512x128xi1>, vector<512x128xf32>
    %jit3A_188 = arith.constant 128 : i32
    %broadcast_in_dim3A_189 = vector.broadcast %jit3A_188 : i32 to vector<512x128xi32>
    %select_n3A_190 = arith.select %lt3A_186, %broadcast_in_dim3A_189, %broadcast_in_dim3A_172 : vector<512x128xi1>, vector<512x128xi32>
    %get3A_191 = arith.constant 256 : index
    %get3A_192 = arith.constant 0 : index
    %get3A_193 = vector.load %arg2[%get3A_191, %get3A_192] : memref<1024x64xf32, #tpu.memory_space<vmem>>, vector<128x64xf32>
    %dot_general3A_194 = arith.constant dense<0.000000e+00> : vector<512x128xf32>
    %dot_general3A_195 = tpu.matmul %get3A_154, %get3A_193, %dot_general3A_194 {dimension_numbers = #tpu.dot_dimension_numbers<[1], [1], [0], [0], [0, 0, 1, 0], [], []>, transpose_lhs_hint = false} : vector<512x64xf32>, vector<128x64xf32>, vector<512x128xf32> -> vector<512x128xf32>
    %get3A_196 = arith.constant 0 : index
    %get3A_197 = arith.constant 256 : index
    %get3A_198 = vector.load %arg4[%get3A_196, %get3A_197] : memref<8x1024xf32, #tpu.memory_space<vmem>>, vector<1x128xf32>
    %add3A_199 = vector.broadcast %get3A_157 : vector<512x1xf32> to vector<512x128xf32>
    %add3A_200 = vector.broadcast %get3A_198 : vector<1x128xf32> to vector<512x128xf32>
    %add3A_201 = arith.addf %add3A_199, %add3A_200 : vector<512x128xf32>
    %sub3A_202 = arith.subf %add3A_201, %dot_general3A_195 : vector<512x128xf32>
    %sqrt3A_203 = math.sqrt %sub3A_202 : vector<512x128xf32>
    %lt3A_204 = arith.cmpf olt, %sqrt3A_203, %select_n3A_187 : vector<512x128xf32>
    %select_n3A_205 = arith.select %lt3A_204, %sqrt3A_203, %select_n3A_187 : vector<512x128xi1>, vector<512x128xf32>
    %jit3A_206 = arith.constant 256 : i32
    %broadcast_in_dim3A_207 = vector.broadcast %jit3A_206 : i32 to vector<512x128xi32>
    %select_n3A_208 = arith.select %lt3A_204, %broadcast_in_dim3A_207, %select_n3A_190 : vector<512x128xi1>, vector<512x128xi32>
    %get3A_209 = arith.constant 384 : index
    %get3A_210 = arith.constant 0 : index
    %get3A_211 = vector.load %arg2[%get3A_209, %get3A_210] : memref<1024x64xf32, #tpu.memory_space<vmem>>, vector<128x64xf32>
    %dot_general3A_212 = arith.constant dense<0.000000e+00> : vector<512x128xf32>
    %dot_general3A_213 = tpu.matmul %get3A_154, %get3A_211, %dot_general3A_212 {dimension_numbers = #tpu.dot_dimension_numbers<[1], [1], [0], [0], [0, 0, 1, 0], [], []>, transpose_lhs_hint = false} : vector<512x64xf32>, vector<128x64xf32>, vector<512x128xf32> -> vector<512x128xf32>
    %get3A_214 = arith.constant 0 : index
    %get3A_215 = arith.constant 384 : index
    %get3A_216 = vector.load %arg4[%get3A_214, %get3A_215] : memref<8x1024xf32, #tpu.memory_space<vmem>>, vector<1x128xf32>
    %add3A_217 = vector.broadcast %get3A_157 : vector<512x1xf32> to vector<512x128xf32>
    %add3A_218 = vector.broadcast %get3A_216 : vector<1x128xf32> to vector<512x128xf32>
    %add3A_219 = arith.addf %add3A_217, %add3A_218 : vector<512x128xf32>
    %sub3A_220 = arith.subf %add3A_219, %dot_general3A_213 : vector<512x128xf32>
    %sqrt3A_221 = math.sqrt %sub3A_220 : vector<512x128xf32>
    %lt3A_222 = arith.cmpf olt, %sqrt3A_221, %select_n3A_205 : vector<512x128xf32>
    %select_n3A_223 = arith.select %lt3A_222, %sqrt3A_221, %select_n3A_205 : vector<512x128xi1>, vector<512x128xf32>
    %jit3A_224 = arith.constant 384 : i32
    %broadcast_in_dim3A_225 = vector.broadcast %jit3A_224 : i32 to vector<512x128xi32>
    %select_n3A_226 = arith.select %lt3A_222, %broadcast_in_dim3A_225, %select_n3A_208 : vector<512x128xi1>, vector<512x128xi32>
    %get3A_227 = arith.constant 512 : index
    %get3A_228 = arith.constant 0 : index
    %get3A_229 = vector.load %arg2[%get3A_227, %get3A_228] : memref<1024x64xf32, #tpu.memory_space<vmem>>, vector<128x64xf32>
    %dot_general3A_230 = arith.constant dense<0.000000e+00> : vector<512x128xf32>
    %dot_general3A_231 = tpu.matmul %get3A_154, %get3A_229, %dot_general3A_230 {dimension_numbers = #tpu.dot_dimension_numbers<[1], [1], [0], [0], [0, 0, 1, 0], [], []>, transpose_lhs_hint = false} : vector<512x64xf32>, vector<128x64xf32>, vector<512x128xf32> -> vector<512x128xf32>
    %get3A_232 = arith.constant 0 : index
    %get3A_233 = arith.constant 512 : index
    %get3A_234 = vector.load %arg4[%get3A_232, %get3A_233] : memref<8x1024xf32, #tpu.memory_space<vmem>>, vector<1x128xf32>
    %add3A_235 = vector.broadcast %get3A_157 : vector<512x1xf32> to vector<512x128xf32>
    %add3A_236 = vector.broadcast %get3A_234 : vector<1x128xf32> to vector<512x128xf32>
    %add3A_237 = arith.addf %add3A_235, %add3A_236 : vector<512x128xf32>
    %sub3A_238 = arith.subf %add3A_237, %dot_general3A_231 : vector<512x128xf32>
    %sqrt3A_239 = math.sqrt %sub3A_238 : vector<512x128xf32>
    %lt3A_240 = arith.cmpf olt, %sqrt3A_239, %select_n3A_223 : vector<512x128xf32>
    %select_n3A_241 = arith.select %lt3A_240, %sqrt3A_239, %select_n3A_223 : vector<512x128xi1>, vector<512x128xf32>
    %jit3A_242 = arith.constant 512 : i32
    %broadcast_in_dim3A_243 = vector.broadcast %jit3A_242 : i32 to vector<512x128xi32>
    %select_n3A_244 = arith.select %lt3A_240, %broadcast_in_dim3A_243, %select_n3A_226 : vector<512x128xi1>, vector<512x128xi32>
    %get3A_245 = arith.constant 640 : index
    %get3A_246 = arith.constant 0 : index
    %get3A_247 = vector.load %arg2[%get3A_245, %get3A_246] : memref<1024x64xf32, #tpu.memory_space<vmem>>, vector<128x64xf32>
    %dot_general3A_248 = arith.constant dense<0.000000e+00> : vector<512x128xf32>
    %dot_general3A_249 = tpu.matmul %get3A_154, %get3A_247, %dot_general3A_248 {dimension_numbers = #tpu.dot_dimension_numbers<[1], [1], [0], [0], [0, 0, 1, 0], [], []>, transpose_lhs_hint = false} : vector<512x64xf32>, vector<128x64xf32>, vector<512x128xf32> -> vector<512x128xf32>
    %get3A_250 = arith.constant 0 : index
    %get3A_251 = arith.constant 640 : index
    %get3A_252 = vector.load %arg4[%get3A_250, %get3A_251] : memref<8x1024xf32, #tpu.memory_space<vmem>>, vector<1x128xf32>
    %add3A_253 = vector.broadcast %get3A_157 : vector<512x1xf32> to vector<512x128xf32>
    %add3A_254 = vector.broadcast %get3A_252 : vector<1x128xf32> to vector<512x128xf32>
    %add3A_255 = arith.addf %add3A_253, %add3A_254 : vector<512x128xf32>
    %sub3A_256 = arith.subf %add3A_255, %dot_general3A_249 : vector<512x128xf32>
    %sqrt3A_257 = math.sqrt %sub3A_256 : vector<512x128xf32>
    %lt3A_258 = arith.cmpf olt, %sqrt3A_257, %select_n3A_241 : vector<512x128xf32>
    %select_n3A_259 = arith.select %lt3A_258, %sqrt3A_257, %select_n3A_241 : vector<512x128xi1>, vector<512x128xf32>
    %jit3A_260 = arith.constant 640 : i32
    %broadcast_in_dim3A_261 = vector.broadcast %jit3A_260 : i32 to vector<512x128xi32>
    %select_n3A_262 = arith.select %lt3A_258, %broadcast_in_dim3A_261, %select_n3A_244 : vector<512x128xi1>, vector<512x128xi32>
    %get3A_263 = arith.constant 768 : index
    %get3A_264 = arith.constant 0 : index
    %get3A_265 = vector.load %arg2[%get3A_263, %get3A_264] : memref<1024x64xf32, #tpu.memory_space<vmem>>, vector<128x64xf32>
    %dot_general3A_266 = arith.constant dense<0.000000e+00> : vector<512x128xf32>
    %dot_general3A_267 = tpu.matmul %get3A_154, %get3A_265, %dot_general3A_266 {dimension_numbers = #tpu.dot_dimension_numbers<[1], [1], [0], [0], [0, 0, 1, 0], [], []>, transpose_lhs_hint = false} : vector<512x64xf32>, vector<128x64xf32>, vector<512x128xf32> -> vector<512x128xf32>
    %get3A_268 = arith.constant 0 : index
    %get3A_269 = arith.constant 768 : index
    %get3A_270 = vector.load %arg4[%get3A_268, %get3A_269] : memref<8x1024xf32, #tpu.memory_space<vmem>>, vector<1x128xf32>
    %add3A_271 = vector.broadcast %get3A_157 : vector<512x1xf32> to vector<512x128xf32>
    %add3A_272 = vector.broadcast %get3A_270 : vector<1x128xf32> to vector<512x128xf32>
    %add3A_273 = arith.addf %add3A_271, %add3A_272 : vector<512x128xf32>
    %sub3A_274 = arith.subf %add3A_273, %dot_general3A_267 : vector<512x128xf32>
    %sqrt3A_275 = math.sqrt %sub3A_274 : vector<512x128xf32>
    %lt3A_276 = arith.cmpf olt, %sqrt3A_275, %select_n3A_259 : vector<512x128xf32>
    %select_n3A_277 = arith.select %lt3A_276, %sqrt3A_275, %select_n3A_259 : vector<512x128xi1>, vector<512x128xf32>
    %jit3A_278 = arith.constant 768 : i32
    %broadcast_in_dim3A_279 = vector.broadcast %jit3A_278 : i32 to vector<512x128xi32>
    %select_n3A_280 = arith.select %lt3A_276, %broadcast_in_dim3A_279, %select_n3A_262 : vector<512x128xi1>, vector<512x128xi32>
    %get3A_281 = arith.constant 896 : index
    %get3A_282 = arith.constant 0 : index
    %get3A_283 = vector.load %arg2[%get3A_281, %get3A_282] : memref<1024x64xf32, #tpu.memory_space<vmem>>, vector<128x64xf32>
    %dot_general3A_284 = arith.constant dense<0.000000e+00> : vector<512x128xf32>
    %dot_general3A_285 = tpu.matmul %get3A_154, %get3A_283, %dot_general3A_284 {dimension_numbers = #tpu.dot_dimension_numbers<[1], [1], [0], [0], [0, 0, 1, 0], [], []>, transpose_lhs_hint = false} : vector<512x64xf32>, vector<128x64xf32>, vector<512x128xf32> -> vector<512x128xf32>
    %get3A_286 = arith.constant 0 : index
    %get3A_287 = arith.constant 896 : index
    %get3A_288 = vector.load %arg4[%get3A_286, %get3A_287] : memref<8x1024xf32, #tpu.memory_space<vmem>>, vector<1x128xf32>
    %add3A_289 = vector.broadcast %get3A_157 : vector<512x1xf32> to vector<512x128xf32>
    %add3A_290 = vector.broadcast %get3A_288 : vector<1x128xf32> to vector<512x128xf32>
    %add3A_291 = arith.addf %add3A_289, %add3A_290 : vector<512x128xf32>
    %sub3A_292 = arith.subf %add3A_291, %dot_general3A_285 : vector<512x128xf32>
    %sqrt3A_293 = math.sqrt %sub3A_292 : vector<512x128xf32>
    %lt3A_294 = arith.cmpf olt, %sqrt3A_293, %select_n3A_277 : vector<512x128xf32>
    %select_n3A_295 = arith.select %lt3A_294, %sqrt3A_293, %select_n3A_277 : vector<512x128xi1>, vector<512x128xf32>
    %jit3A_296 = arith.constant 896 : i32
    %broadcast_in_dim3A_297 = vector.broadcast %jit3A_296 : i32 to vector<512x128xi32>
    %select_n3A_298 = arith.select %lt3A_294, %broadcast_in_dim3A_297, %select_n3A_280 : vector<512x128xi1>, vector<512x128xi32>
    %iota3A_299 = tpu.iota {dimensions = array<i32: 1>} : vector<512x128xi32>
    %add3A_300 = arith.addi %select_n3A_298, %iota3A_299 : vector<512x128xi32>
    %reduce_min3A_301 = arith.constant dense<0x7F800000> : vector<512xf32>
    %reduce_min3A_302 = vector.multi_reduction <minimumf>, %select_n3A_295, %reduce_min3A_301 [1] : vector<512x128xf32> to vector<512xf32>
    %broadcast_in_dim3A_303 = vector.shape_cast %reduce_min3A_302 : vector<512xf32> to vector<512x1xf32>
    %eq3A_304 = vector.broadcast %broadcast_in_dim3A_303 : vector<512x1xf32> to vector<512x128xf32>
    %eq3A_305 = arith.cmpf oeq, %select_n3A_295, %eq3A_304 : vector<512x128xf32>
    %jit3A_306 = arith.constant 1024 : i32
    %broadcast_in_dim3A_307 = vector.broadcast %jit3A_306 : i32 to vector<512x128xi32>
    %select_n3A_308 = arith.select %eq3A_305, %add3A_300, %broadcast_in_dim3A_307 : vector<512x128xi1>, vector<512x128xi32>
    %reduce_min3A_309 = arith.constant dense<2147483647> : vector<512xi32>
    %reduce_min3A_310 = vector.multi_reduction <minsi>, %select_n3A_308, %reduce_min3A_309 [1] : vector<512x128xi32> to vector<512xi32>
    %swap3A_311 = arith.index_cast %arg0 : i32 to index
    %swap3A_312 = arith.constant 0 : index
    %swap3A_313 = arith.constant 512 : index
    %swap3A_314 = vector.load %arg5[%swap3A_311, %swap3A_312, %swap3A_313] : memref<16x1x1024xi32, #tpu.memory_space<vmem>>, vector<1x1x512xi32>
    %swap3A_315 = vector.shape_cast %swap3A_314 : vector<1x1x512xi32> to vector<512xi32>
    %swap3A_316 = vector.shape_cast %reduce_min3A_310 : vector<512xi32> to vector<1x1x512xi32>
    tpu.vector_store %arg5[%swap3A_311, %swap3A_312, %swap3A_313], %swap3A_316 {strides = array<i32>} : memref<16x1x1024xi32, #tpu.memory_space<vmem>>, vector<1x1x512xi32>,
    return
  }
  func.func @transform_0(%arg0: i32) -> (i32, i32) {
    %c0_i32 = arith.constant 0 : i32
    %c0_i32_0 = arith.constant 0 : i32
    return %arg0, %c0_i32 : i32, i32
  }
  func.func @transform_1(%arg0: i32) -> (i32, i32) {
    %c0_i32 = arith.constant 0 : i32
    %c0_i32_0 = arith.constant 0 : i32
    %c0_i32_1 = arith.constant 0 : i32
    return %c0_i32, %c0_i32_0 : i32, i32
  }
  func.func @transform_2(%arg0: i32) -> (i32, i32) {
    %c0_i32 = arith.constant 0 : i32
    %c0_i32_0 = arith.constant 0 : i32
    return %arg0, %c0_i32 : i32, i32
  }
  func.func @transform_3(%arg0: i32) -> (i32, i32) {
    %c0_i32 = arith.constant 0 : i32
    %c0_i32_0 = arith.constant 0 : i32
    %c0_i32_1 = arith.constant 0 : i32
    return %c0_i32, %c0_i32_0 : i32, i32
  }
  func.func @transform_4(%arg0: i32) -> (i32, i32, i32) {
    %c0_i32 = arith.constant 0 : i32
    %c0_i32_0 = arith.constant 0 : i32
    %c0_i32_1 = arith.constant 0 : i32
    %c0_i32_2 = arith.constant 0 : i32
    return %c0_i32, %c0_i32_0, %c0_i32_1 : i32, i32, i32
  }
}

</mosaic_0001>

<sc_bundles>
// kernel: kernel.4.cloned.1.call-start
scs
__scs_entry_jumppad:
0x0: {  	(pc) =	sbr.rel $0x88, $3  }
0x1: {  	(tag) =	ssettag $0x0;
	lr =	simm.s32 $0x1  }
0x2: {  	[smem:$0x3F9F] =	sst lr;
	_ =	strace $0xD0000000  }
0x3: {  	_ = 	snop  }
0x4: {  	_ = 	snop  }
0x5: {  	_ = 	snop  }
0x6: {  	_ = 	snop  }
0x7: {  	_ = 	snop  }
__scs_overlays_trampoline_lowered:
0x8: {  	[smem:$0x3FAE] =	sst s0  }
0x9: {  	[smem:$0x3FAF] =	sst s1  }
0xa: {  	[smem:$0x3FB0] =	sst s2  }
0xb: {  	[smem:$0x3FB1] =	sst s3  }
0xc: {  	[smem:$0x3FB2] =	sst s4  }
0xd: {  	[smem:$0x3FB3] =	sst s5  }
0xe: {  	[smem:$0x3FB4] =	sst s6  }
0xf: {  	[smem:$0x3FB5] =	sst s7  }
0x10: {  	[smem:$0x3FB6] =	sst s8  }
0x11: {  	[smem:$0x3FB7] =	sst s9;
	s0 =	simm.s32 @!p0 $0x0  }
0x12: {  	s1 =	sld [smem:$0x3F9D];
	s0 =	simm.s32 @p0 $0x1  }
0x13: {  	[smem:$0x3FB8] =	sst s0;
	s0 =	simm.s32 @!p1 $0x0  }
0x14: {  	s2 =	sld [smem:$0x3F9C];
	s0 =	simm.s32 @p1 $0x1  }
0x15: {  	[smem:$0x3FB9] =	sst s0;
	s0 =	simm.s32 @!p2 $0x0  }
0x16: {  	s3 =	sld [smem:$0x3FDB];
	s0 =	simm.s32 @p2 $0x1  }
0x17: {  	s4 =	simm.s32 $0x1BF5;
	[smem:$0x3FBB] =	sst s0  }
0x18: {  	s0 =	sld [smem:$0x3F9E];
	_ =	swait.ge [sflag:s4], $0x0  }
0x19: {  	s7 =	sld [smem:$0x3F9F]  }
0x1a: {  	s8 =	sadd.s32 $0xFFFFE003, lr  }
0x1b: {  	s9 =	sadd.s32 $0xFFFFFEF7, lr;
	s5 =	simm.s32 $0xFFFFFFFF;
	p2 =	slt.u32 s8, $0xFFFFF086  }
0x1c: {  	p1 =	slt.u32 s9, $0xF7A;
	s5 =	simm.s32 @!p2 $0x0  }
0x1d: {  	s5 =	simm.s32 @p1 $0x1;
	p0 =	seq.s32 s7, s2  }
0x1e: {  	s7 =	smul.u32 @!p0 $0xF7A, s2;
	p2 =	seq.s32 @!p0 s5, $0x0  }
0x1f: {  	s9 =	smul.u32 $0xF7A, s1;
	s8 =	simm.s32 @!p0 $0x1BF5;
	p2 =	por !p2, p0  }
0x20: {  	[sflag:s8] =	ssyncset.s32 @!p0 $0xFFFFF086;
	s6 =	sadd.s32 @!p0 s3, s7;
	s7 =	simm.s32 @!p0 $0x108  }
0x21: {  	s3 =	sadd.s32 s3, s9;
	s6 =	sadd.s32 @!p0 $0x88, s6;
	s7 =	simm.s32 @p2 $0x1082  }
0x22: {  	[simem:s7], [sflag:s8] =	dma.local @!p0 [hbm:s6], $0xF7A  }
0x23: {  	s9 =	sor.u32 $0xD0000000, s2;
	s6 =	simm.s32 $0x108;
	_ =	swait.ge @!p0 [sflag:s8], $0x0  }
0x24: {  	s3 =	sadd.s32 $0x88, s3;
	s6 =	simm.s32 @!p1 $0x1082;
	[sflag:s4] =	ssyncset.s32 $0xFFFFF086  }
0x25: {  	[simem:s6], [sflag:s4] =	dma.local [hbm:s3], $0xF7A  }
0x26: {  	[smem:$0x3F9F] =	sst s1;
	(tag) =	ssettag s2;
	_ =	strace s9  }
0x27: {  	s1 =	sld [smem:$0x3FAF]  }
0x28: {  	s2 =	sld [smem:$0x3FB0]  }
0x29: {  	s4 =	sld [smem:$0x3FB2]  }
0x2a: {  	p0 =	seq.s32 s5, $0x0;
	s5 =	sld [smem:$0x3FB3]  }
0x2b: {  	s6 =	sld [smem:$0x3FB4]  }
0x2c: {  	s7 =	sld [smem:$0x3FB5]  }
0x2d: {  	s3 =	simm.s32 $0x108;
	s8 =	sld [smem:$0x3FB6]  }
0x2e: {  	s3 =	simm.s32 @!p0 $0x1082;
	s9 =	sld [smem:$0x3FB7]  }
0x2f: {  	lr =	sadd.s32 s0, s3;
	s0 =	sld [smem:$0x3FAE]  }
0x30: {  	s3 =	sld [smem:$0x3FB1]  }
0x31: {  	[smem:$0x3FBA] =	sst s10  }
0x32: {  	s10 =	sld [smem:$0x3FB8];
	_ =	sdelay $0x3  }
0x33: {  	p0 =	seq.s32 s10, $0x1;
	s10 =	sld [smem:$0x3FBA];
	_ =	sdelay $0x3  }
0x34: {  	[smem:$0x3FBA] =	sst s10  }
0x35: {  	s10 =	sld [smem:$0x3FB9];
	_ =	sdelay $0x3  }
0x36: {  	p1 =	seq.s32 s10, $0x1;
	s10 =	sld [smem:$0x3FBA];
	_ =	sdelay $0x3  }
0x37: {  	[smem:$0x3FBA] =	sst s10  }
0x38: {  	s10 =	sld [smem:$0x3FBB]  }
0x39: {  	_ = 	snop;
	(pc) =	sbr.ind lr, $3  }
0x3a: {  	_ = 	snop  }
0x3b: {  	_ = 	snop  }
0x3c: {  	p2 =	seq.s32 s10, $0x1;
	s10 =	sld [smem:$0x3FBA]  }
0x3d: {  	_ =	shalt  }
0x3e: {  	_ =	shalt  }
0x3f: {  	_ =	shalt  }
0x40: {  	_ =	shalt  }
0x41: {  	_ =	shalt  }
0x42: {  	_ =	shalt  }
0x43: {  	_ =	shalt  }
0x44: {  	_ =	shalt  }
0x45: {  	_ =	shalt  }
0x46: {  	_ =	shalt  }
0x47: {  	_ =	shalt  }
0x48: {  	_ =	shalt  }
0x49: {  	_ =	shalt  }
0x4a: {  	_ =	shalt  }
0x4b: {  	_ =	shalt  }
0x4c: {  	_ =	shalt  }
0x4d: {  	_ =	shalt  }
0x4e: {  	_ =	shalt  }
0x4f: {  	_ =	shalt  }
0x50: {  	_ =	shalt  }
0x51: {  	_ =	shalt  }
0x52: {  	_ =	shalt  }
0x53: {  	_ =	shalt  }
0x54: {  	_ =	shalt  }
0x55: {  	_ =	shalt  }
0x56: {  	_ =	shalt  }
0x57: {  	_ =	shalt  }
0x58: {  	_ =	shalt  }
0x59: {  	_ =	shalt  }
0x5a: {  	_ =	shalt  }
0x5b: {  	_ =	shalt  }
0x5c: {  	_ =	shalt  }
0x5d: {  	_ =	shalt  }
0x5e: {  	_ =	shalt  }
0x5f: {  	_ =	shalt  }
0x60: {  	_ =	shalt  }
0x61: {  	_ =	shalt  }
0x62: {  	_ =	shalt  }
0x63: {  	_ =	shalt  }
0x64: {  	_ =	shalt  }
0x65: {  	_ =	shalt  }
0x66: {  	_ =	shalt  }
0x67: {  	_ =	shalt  }
0x68: {  	_ =	shalt  }
0x69: {  	_ =	shalt  }
0x6a: {  	_ =	shalt  }
0x6b: {  	_ =	shalt  }
0x6c: {  	_ =	shalt  }
0x6d: {  	_ =	shalt  }
0x6e: {  	_ =	shalt  }
0x6f: {  	_ =	shalt  }
0x70: {  	_ =	shalt  }
0x71: {  	_ =	shalt  }
0x72: {  	_ =	shalt  }
0x73: {  	_ =	shalt  }
0x74: {  	_ =	shalt  }
0x75: {  	_ =	shalt  }
0x76: {  	_ =	shalt  }
0x77: {  	_ =	shalt  }
0x78: {  	_ =	shalt  }
0x79: {  	_ =	shalt  }
0x7a: {  	_ =	shalt  }
0x7b: {  	_ =	shalt  }
0x7c: {  	_ =	shalt  }
0x7d: {  	_ =	shalt  }
0x7e: {  	_ =	shalt  }
0x7f: {  	_ =	shalt  }
0x80: {  	_ =	shalt  }
0x81: {  	_ =	shalt  }
0x82: {  	_ =	shalt  }
0x83: {  	_ =	shalt  }
0x84: {  	_ =	shalt  }
0x85: {  	_ =	shalt  }
0x86: {  	_ =	shalt  }
0x87: {  	_ =	shalt  }
.Lfunc_end0:
.L_simem_size_0:
called_computation_lowered:
.L_overlay_start_0:
0x88: {  	s2 =	sld [smem:$0x3FD9]  }
0x89: {  	s3 =	sld [smem:$0x3FFE];
	_ =	sdelay $0x1  }
0x8a: {  	s1 =	srdreg.scid  }
0x8b: {  	s0 =	sand.u32 $0x1, s1  }
0x8c: {  	s14 =	sshll.u32 s0, $0xA;
	s2 =	sadd.s32 s3, s2  }
0x8d: {  	s2 =	sadd.s32 s2, s14  }
0x8e: {  	[smem:$0x3FC6] =	sst s2  }
0x8f: {  	_ = 	snop  }
0x90: {  	s2 =	sld [smem:$0x3FD0];
	_ =	sdelay $0x2  }
0x91: {  	s15 =	simm.s32 $0xA;
	s4 =	simm.s32 $0x10  }
0x92: {  	[smem:s4], [sflag:s15] =	dma.local [hbm:s2], $0x1  }
0x93: {  	_ =	swait.eq [sflag:s15], $0x1  }
0x94: {  	[sflag:s15] =	ssyncset.done $0x0  }
0x95: {  	s16 =	sld [smem:$0x10];
	[sflag:s15] =	ssyncadd.s32 $0xFFFFFFFF  }
0x96: {  	s17 =	sld [smem:$0x11];
	(tm) =	ssettm $0x1  }
0x97: {  	s18 =	sld [smem:$0x3FFB];
	_ =	sdelay $0x3  }
0x98: {  	_ =	strace s18  }
0x99: {  	s4 =	sld [smem:$0x3FFC];
	_ =	sdelay $0x3  }
0x9a: {  	_ =	strace s4  }
0x9b: {  	s4 =	sld [smem:$0x3FFD];
	_ =	sdelay $0x3  }
0x9c: {  	_ =	strace s4  }
0x9d: {  	_ =	strace $0x8FFFFFFF  }
0x9e: {  	s19 =	sld [smem:$0x3FDB];
	_ =	sdelay $0x1  }
0x9f: {  	s5 =	simm.s32 $_scs_section_size  }
0xa0: {  	s6 =	simm.s32 $_size__tile_overlayer_lowered;
	s7 =	simm.s32 $_tile_overlayer_lowered  }
0xa1: {  	s22 =	simm.s32 $0x1BFF;
	s21 =	sshll.u32 s7, $0x1;
	s4 =	sadd.s32 s5, s19  }
0xa2: {  	s8 =	simm.s32 $0x0;
	s20 =	sshll.u32 s6, $0x1;
	s6 =	sadd.s32 s21, s4  }
0xa3: {  	[timem:s8], [sflag:s22] =	dma.local [hbm:s6], s20  }
0xa4: {  	_ =	swait.ge [sflag:s22], s20  }
0xa5: {  	s5 =	ssub.s32 $0x0, s20;
	[sflag:s22] =	ssyncset.done $0x0  }
0xa6: {  	[sflag:s22] =	ssyncadd.s32 s5;
	_ =	sdelay $0x1  }
0xa7: {  	s23 =	simm.s32 $0x1B8B  }
0xa8: {  	_ =	swait.ge [sflag:s23], $0x1  }
0xa9: {  	[sflag:s23] =	ssyncset.done $0x0  }
0xaa: {  	s25 =	simm.s32 $0x1B8E;
	s24 =	sld [smem:$0x3FFE];
	[sflag:s23] =	ssyncadd.s32 $0xFFFFFFFF  }
0xab: {  	s26 =	simm.s32 $execute0_lowered;
	[smem:$0x3FD2] =	sst s25  }
0xac: {  	s6 =	sshll.u32 s26, $0x1;
	_ =	strace $0x80000046;
	[dreg:$0x1] =	wrdreg $0xFFFFFFFF  }
0xad: {  	s28 =	simm.s32 $_size_execute0_lowered;
	s4 =	sadd.s32 s4, s6;
	[dreg:$0x0] =	wrdreg $0x0  }
0xae: {  	s6 =	sshll.u32 s28, $0x1;
	[dreg:$0x2] =	wrdreg s4  }
0xaf: {  	[dreg:$0x3] =	wrdreg s6  }
0xb0: {  	[dreg:$0x4] =	wrdreg $0xC0  }
0xb1: {  	_ =	task [dreg:s8], $0x5FFFF  }
0xb2: {  	[dreg:$0x1] =	wrdreg $0xFFFFFFFF  }
0xb3: {  	[dreg:$0x0] =	wrdreg $0x60  }
0xb4: {  	[dreg:$0x2] =	wrdreg s24  }
0xb5: {  	[dreg:$0x3] =	wrdreg s17  }
0xb6: {  	[dreg:$0x4] =	wrdreg s16  }
0xb7: {  	[dreg:$0x5] =	wrdreg $0x9  }
0xb8: {  	_ =	task.clear_ibuf [dreg:s8], $0x6FFFF;
	_ =	strace $0x90000046  }
0xb9: {  	s29 =	simm.s32 $0x9;
	_ =	strace $0x80000048  }
0xba: {  	_ =	swait.ge [sflag:s29], $0x1  }
0xbb: {  	[sflag:s29] =	ssyncadd.s32 $0xFFFFFFFF  }
0xbc: {  	_ =	strace $0x90000048  }
0xbd: {  	_ =	sfence  }
0xbe: {  	s30 =	sld [smem:$0x0];
	_ =	sdelay $0x2  }
0xbf: {  	s31 =	sshll.u32 s1, $0xD;
	s1 =	sshrl.u32 s1, $0x2  }
0xc0: {  	s3 =	sand.u32 $0x4000, s31;
	s1 =	sadd.s32 s1, s30  }
0xc1: {  	s0 =	sor.u32 s3, s0;
	s1 =	sshll.u32 s1, $0x11  }
0xc2: {  	s0 =	sor.u32 s1, s0  }
0xc3: {  	s0 =	sadd.s32 $0x8F2B, s0  }
0xc4: {  	[sflag:s0] =	ssyncadd.remote.s32 $0x1  }
0xc5: {  	_ =	sfence.sel $0xFFFF  }
0xc6: {  	[dreg:$0x0] =	wrdreg $0xFFFFFFFF;
	(pc) =	sbr.abs _section_cstart, $3  }
0xc7: {  	[dreg:$0x1] =	wrdreg $0xFFFFFFFF  }
0xc8: {  	_ =	task.clear_ibuf [dreg:s8], $0x2FFFF;
	_ =	strace $0x9FFFFFFF  }
0xc9: {  	(tm) =	ssettm $0x7FFFFFFF  }
tec
execute0_lowered:
.L_overlay_start_1:
0x0: {  	(tag) =	ssettag $0x1  }
0x1: {  	s1 =	rddreg [dreg:$0x0]  }
0x2: {  	s2 =	srdreg.scid;
	s4 =	rddreg [dreg:$0x1]  }
0x3: {  	s0 =	stileid.u32;
	s8 =	rddreg [dreg:$0x2];
	s6 =	sand.u32 $0x1, s2  }
0x4: {  	s3 =	simm.s32 $0x0;
	s5 =	sshll.u32 s0, $0xA;
	s7 =	sshll.u32 s6, $0x9  }
0x5: {  	[smem:$0x7FF] =	sst s3;
	s9 =	sor.u32 s7, s5  }
0x6: {  	s2 =	rddreg [dreg:$0x3];
	_ =	strace $0x80000047;
	s5 =	sshrl.u32 s9, $0x3  }
0x7: {  	s10 =	ssub.s32 $0x2, s6;
	s5 =	sadd.s32 s4, s5;
	s4 =	simm.s32 $0x2  }
0x8: {  	[tilespmem:s3], [sflag:$0x2] =	stream.linear.gather [hbm4b:s5+s3], $0x200, $0x38;
	[tilespmem:$0x8200] =	vst v63  }
0x9: {  	s11 =	sshrl.u32 s10, $0x1;
	_ =	swait.ge [sflag:s4], $0x200  }
0xa: {  	s6 =	simm.s32 $0x200;
	s10 =	ssub.s32 s10, s11;
	[sflag:s4] =	ssyncset.done $0x0  }
0xb: {  	s7 =	simm.s32 $0x1;
	s31 =	smax.u32 s10, $0x1;
	[sflag:s4] =	ssyncadd.s32 $0xFFFFFE00  }
0xc: {  	[tilespmem:s6], [sflag:$0x1] =	stream.indirect.gather [hbm4b:s1+s6], $0x40, s3, s6, $0xb8;
	[tilespmem:$0x8200] =	vst v63  }
0xd: {  	p0 =	sne.s32 s31, $0x1;
	_ =	swait.ge [sflag:s7], $0x8000  }
.Ltmp0:
0xe: {  	s9 =	sshll.u32 s9, $0x3;
	[sflag:s7] =	ssyncset.done $0x0;
	(pc) =	sbr.rel @!p0 .LBB2_2-.Ltmp0, $4  }
0xf: {  	s8 =	sadd.s32 s8, s9;
	[sflag:s7] =	ssyncadd.s32 $0xFFFF8000  }
0x10: {  	[hbm4b:s8+s3] =	stream.linear.scatter [tilespmem:s6], [sflag:$0x2], $0x8000, $0x38;
	[tilespmem:$0x8200] =	vst v63  }
0x11: {  	_ =	swait.ge [sflag:s4], $0x8000  }
0x12: {  	s9 =	sadd.s32 $0xFFFFFFFF, s31;
	[sflag:s4] =	ssyncset.done $0x0  }
.LBB2_1:
0x13: {  	p0 =	sne.s32 s9, $0x1;
	s9 =	sadd.s32 $0xFFFFFFFF, s9;
	[sflag:s4] =	ssyncadd.s32 $0xFFFF8000  }
0x14: {  	[tilespmem:s3], [sflag:$0x2] =	stream.linear.gather [hbm4b:s5+s3], $0x200, $0x38;
	[tilespmem:$0x8200] =	vst v63  }
0x15: {  	_ =	swait.ge [sflag:s4], $0x200  }
0x16: {  	[sflag:s4] =	ssyncset.done $0x0  }
0x17: {  	[sflag:s4] =	ssyncadd.s32 $0xFFFFFE00  }
0x18: {  	[tilespmem:s6], [sflag:$0x1] =	stream.indirect.gather [hbm4b:s1+s6], $0x40, s3, s6, $0xb8;
	[tilespmem:$0x8200] =	vst v63  }
0x19: {  	_ =	swait.ge [sflag:s7], $0x8000  }
.Ltmp1:
0x1a: {  	[sflag:s7] =	ssyncset.done $0x0;
	(pc) =	sbr.rel @p0 .LBB2_1-.Ltmp1, $4  }
0x1b: {  	[sflag:s7] =	ssyncadd.s32 $0xFFFF8000  }
0x1c: {  	[hbm4b:s8+s3] =	stream.linear.scatter [tilespmem:s6], [sflag:$0x2], $0x8000, $0x38;
	[tilespmem:$0x8200] =	vst v63  }
0x1d: {  	_ =	swait.ge [sflag:s4], $0x8000  }
0x1e: {  	[sflag:s4] =	ssyncset.done $0x0  }
.LBB2_2:
0x1f: {  	[sflag:s4] =	ssyncadd.s32 $0xFFFF8000  }
0x20: {  	_ =	sfence.sel $0x180000  }
0x21: {  	[bflag:$0x0] =	sbarrier.arrive $0xFFFF  }
0x22: {  	p0 =	sne.s32 s0, $0x0;
	_ =	strace $0x90000047  }
0x23: {  	s0 =	sadd.s32 @!p0 $0x100000, s2;
	[bflag:$0x2] =	sbarrier.arrive $0xFFFF  }
0x24: {  	[sflag:s0] =	ssyncadd.tile.s32 @!p0 $0x1;
	_ =	shalt  }
.Lfunc_end2:
_tile_overlayer_lowered:
.L_overlay_start_2:
0x25: {  	(tag) =	ssettag $0x2  }
0x26: {  	s0 =	rddreg [dreg:$0x0];
	s2 =	stileid.u32  }
0x27: {  	s1 =	rddreg [dreg:$0x1];
	p0 =	sne.s32 s2, $0x0  }
0x28: {  	s3 =	rddreg [dreg:$0x2];
	[bflag:$0x3] =	sbarrier.arrive $0xFFFF;
	s2 =	simm.s32 @!p0 $0x1C02  }
0x29: {  	[timem:s3], [sflag:s2] =	dma.local @!p0 [hbm:s0], s1  }
0x2a: {  	s0 =	simm.s32 @!p0 $0x2  }
0x2b: {  	_ =	swait.ge @!p0 [sflag:s0], s1  }
0x2c: {  	s1 =	ssub.s32 @!p0 $0x0, s1;
	[sflag:s0] =	ssyncset.done @!p0 $0x0  }
0x2d: {  	[sflag:s0] =	ssyncadd.s32 @!p0 s1  }
0x2e: {  	[bflag:$0x3] =	sbarrier.arrive $0xFFFF  }
0x2f: {  	_ =	shalt  }

</sc_bundles>
